<compile_context>
chip_gen: v7x
topology: tpu7x:2x2x1
jax: 0.10.2.dev20260603
libtpu: 0.0.44.dev20260713+nightly
codegen_flags: <defaults>
</compile_context>

<pallas_src>
import functools

import jax
import jax.numpy as jnp
from jax import lax
from jax.experimental import pallas as pl
from jax.experimental.pallas import tpu as pltpu, tpu_sc as plsc

_B = 1024
_LC = 2
_N = _B + _LC
_IN = 2048
_OUT = 1000
_NEG_SLOPE = 0.2
_BN_INV = 1.0 / (1.0 + 1e-5) ** 0.5
_SCALE = 1.0 / (_B + 1)

_KC = 256
_PA = _IN // _KC // 2
_CB = 256
_NST = 2
_STEPS = _PA + _NST

_NC = 2
_NS = 16
_NW = _NC * _NS
_RPW = _B // _NW


def _sc_colsum_body(x_hbm, out_hbm, buf_v, acc_v, sem):
    cid = lax.axis_index("c")
    sid = lax.axis_index("s")
    wid = sid * _NC + cid
    pltpu.async_copy(x_hbm.at[pl.ds(wid * _RPW, _RPW)], buf_v, sem).wait()

    @pl.loop(0, _IN // 16)
    def _col(c):
        base = c * 16
        acc = buf_v[0, pl.ds(base, 16)]
        for r in range(1, _RPW):
            acc = acc + buf_v[r, pl.ds(base, 16)]
        acc_v[0, pl.ds(base, 16)] = acc

    pltpu.sync_copy(acc_v, out_hbm.at[pl.ds(wid, 1)])


_sc_colsum = functools.partial(
    pl.kernel,
    mesh=plsc.VectorSubcoreMesh(core_axis_name="c", subcore_axis_name="s"),
    out_type=jax.ShapeDtypeStruct((_NW, _IN), jnp.float32),
    scratch_types=[
        pltpu.VMEM((_RPW, _IN), jnp.float32),
        pltpu.VMEM((1, _IN), jnp.float32),
        pltpu.SemaphoreType.DMA,
    ],
)(_sc_colsum_body)


def _tc_body(sp_ref, wa_ref, wb_ref, b_ref, g_ref, beta_ref,
             ca_ref, cb_ref, out_ref, s_ref, acc_ref, rows2_ref):
    i = pl.program_id(0)

    @pl.when(i == 0)
    def _init():
        s_ref[...] = jnp.sum(sp_ref[...], axis=0, keepdims=True)
        acc_ref[...] = jnp.zeros_like(acc_ref)

    @pl.when(i < _PA)
    def _accum():
        sa = s_ref[:, pl.ds(2 * i * _KC, _KC)]
        sb = s_ref[:, pl.ds((2 * i + 1) * _KC, _KC)]
        acc_ref[...] += (
            jnp.dot(sa, wa_ref[...], preferred_element_type=jnp.float32)
            + jnp.dot(sb, wb_ref[...], preferred_element_type=jnp.float32))

    @pl.when(i == _PA)
    def _finalize():
        common = acc_ref[...] * _SCALE + b_ref[...]
        row_b = jnp.broadcast_to(b_ref[...], common.shape)
        v = jnp.concatenate([common, row_b], axis=0)
        v = jnp.where(v >= 0, v, _NEG_SLOPE * v)
        v = v * (g_ref[...] * _BN_INV) + beta_ref[...]
        rows2_ref[...] = v

    @pl.when(i >= _PA)
    def _cls_and_write():
        dn = (((1,), (1,)), ((), ()))
        la = jax.lax.dot_general(rows2_ref[...], ca_ref[...], dn,
                                 preferred_element_type=jnp.float32)
        lb = jax.lax.dot_general(rows2_ref[...], cb_ref[...], dn,
                                 preferred_element_type=jnp.float32)
        l2 = jnp.concatenate([la, lb], axis=1)
        rows = jax.lax.broadcasted_iota(jnp.int32, (_N, 1), 0)
        out_ref[...] = jnp.where(rows == _B, l2[1:2, :], l2[0:1, :])


def _clamp(lo, v, hi):
    return jnp.maximum(lo, jnp.minimum(v, hi))


def kernel(x, step, modal, W, b_gcn, bn_gamma, bn_beta, cls_W):
    del step, modal
    sparts = _sc_colsum(x)
    b2 = b_gcn.reshape(1, _IN)
    g2 = bn_gamma.reshape(1, _IN)
    beta2 = bn_beta.reshape(1, _IN)
    logits = pl.pallas_call(
        _tc_body,
        grid=(_STEPS,),
        in_specs=[
            pl.BlockSpec((_NW, _IN), lambda i: (0, 0)),
            pl.BlockSpec((_KC, _IN), lambda i: (2 * _clamp(0, i, _PA - 1), 0)),
            pl.BlockSpec((_KC, _IN), lambda i: (2 * _clamp(0, i, _PA - 1) + 1, 0)),
            pl.BlockSpec((1, _IN), lambda i: (0, 0)),
            pl.BlockSpec((1, _IN), lambda i: (0, 0)),
            pl.BlockSpec((1, _IN), lambda i: (0, 0)),
            pl.BlockSpec((_CB, _IN), lambda i: (2 * _clamp(0, i - _PA, _NST - 1), 0)),
            pl.BlockSpec((_CB, _IN), lambda i: (2 * _clamp(0, i - _PA, _NST - 1) + 1, 0)),
        ],
        out_specs=pl.BlockSpec((_N, 2 * _CB), lambda i: (0, _clamp(0, i - _PA, _NST - 1))),
        out_shape=jax.ShapeDtypeStruct((_N, _OUT), jnp.float32),
        scratch_shapes=[
            pltpu.VMEM((1, _IN), jnp.float32),
            pltpu.VMEM((1, _IN), jnp.float32),
            pltpu.VMEM((2, _IN), jnp.float32),
        ],
    )(sparts, W, W, b2, g2, beta2, cls_W, cls_W)
    return logits

# --- scband reference (transcript-rebuilt; emitter-appended) ---
"""Pipeline reference for scband-gcn-layer-11493332484392 (READ-ONLY COPY).

The authoritative reference and input builder live on the scoring server;
editing this copy changes nothing except your own understanding.
"""

import jax, jax.numpy as jnp
import numpy as np

B = 1024
IN = 2048
OUT = 1000
LC = 2  # length_cam: 1 rgb cam + 1 ir cam proxy node


def setup_inputs(seed: int = 0) -> dict:
    key = jax.random.key(seed)
    k1, k2, k3, k4, k5 = jax.random.split(key, 5)
    x = jax.random.normal(k1, (B, IN), dtype=jnp.float32)
    stdv = 1.0 / np.sqrt(IN)
    # GraphConvolution params: uniform(-stdv, stdv)
    W = jax.random.uniform(k2, (IN, IN), minval=-stdv, maxval=stdv, dtype=jnp.float32)
    b_gcn = jax.random.uniform(k3, (IN,), minval=-stdv, maxval=stdv, dtype=jnp.float32)
    # BatchNorm1d params (kaiming init used elsewhere: N(1, 0.01) weight, 0 bias)
    bn_gamma = 1.0 + 0.01 * jax.random.normal(k4, (IN,), dtype=jnp.float32)
    bn_beta = jnp.zeros((IN,), dtype=jnp.float32)
    # Incremental_Classifier: Linear(IN, OUT, bias=False), weight ~ N(0, 0.001)
    cls_W = 0.001 * jax.random.normal(k5, (OUT, IN), dtype=jnp.float32)
    return {"x": x, "step": 0, "modal": 1, "W": W, "b_gcn": b_gcn,
            "bn_gamma": bn_gamma, "bn_beta": bn_beta, "cls_W": cls_W}


def _gen_adj(graph):
    # D = diag(rowsum^-0.5); adj = (graph @ D).T @ D  -- faithful to torch gen_adj
    D = jnp.power(jnp.sum(graph, axis=1), -0.5)
    Dm = jnp.diag(D)
    return jnp.matmul(jnp.matmul(graph, Dm).T, Dm)


def reference(x, step, modal, W, b_gcn, bn_gamma, bn_beta, cls_W):
    # eval-mode forward: ADJ_SecondLayer builds adjacency, appends running cam means
    Bn = x.shape[0]
    N = Bn + LC
    # running_mean_cam nodes are zeros(1, 2048), concatenated onto x
    x_ext = jnp.concatenate([x, jnp.zeros((LC, x.shape[1]), dtype=x.dtype)], axis=0)
    adj = jnp.eye(N, dtype=jnp.float32)
    # modal == 1 branch: all-RGB batch, connect every sample to the IR cam node
    # cams_map for ir cam (id 2) -> slot 1, so node index Bn + 1
    adj = adj.at[:Bn, :Bn].set(1.0)
    adj = adj.at[:Bn, Bn + 1].set(1.0)
    adj = adj.at[Bn + 1, :Bn].set(1.0)
    adj_n = _gen_adj(adj)
    # GCN_3ADJ.gc3: support = x @ W ; out = adj_n @ support + bias ; LeakyReLU(0.2)
    support = jnp.matmul(x_ext, W)
    out = jnp.matmul(adj_n, support) + b_gcn
    out = jnp.where(out >= 0, out, 0.2 * out)
    # BatchNorm1d eval: running_mean=0, running_var=1, eps=1e-5
    bn = (out - 0.0) / jnp.sqrt(1.0 + 1e-5) * bn_gamma + bn_beta
    # Incremental_Classifier: Linear no bias
    logits = jnp.matmul(bn, cls_W.T)
    return logits

if __name__ == "__main__":
    import jax
    _d = setup_inputs()
    print(jax.jit(kernel)(*tuple(_d.values())))

</pallas_src>

<mosaic_0001>
#map = affine_map<(d0, d1) -> (0, 0)>
module attributes {stable_mosaic.version = 14 : i64} {
  func.func @_sc_colsum_body(%arg0: i32, %arg1: i32, %arg2: memref<1024x2048xf32, #tpu.memory_space<hbm>>, %arg3: memref<32x2048xf32, #tpu.memory_space<hbm>>, %arg4: memref<32x2048xf32, #tpu.memory_space<vmem>>, %arg5: memref<1x2048xf32, #tpu.memory_space<vmem>>, %arg6: memref<!tpu.dma_semaphore, #tpu.memory_space<semaphore_mem>>) attributes {dimension_semantics = [#tpu.dimension_semantics<core_parallel>, #tpu.dimension_semantics<subcore_parallel>], iteration_bounds = array<i64: 2, 16>, scalar_prefetch = 0 : i64, scratch_operands = 3 : i64, tpu.core_type = #tpu.core_type<sc_vector_subcore>, window_params = [{transform_indices = #map}, {transform_indices = #map}]} {
    %mul3A = arith.constant 2 : i32
    %mul3A_0 = arith.muli %arg1, %mul3A : i32
    %add3A = arith.addi %mul3A_0, %arg0 : i32
    %mul3A_1 = arith.constant 32 : i32
    %mul3A_2 = arith.muli %add3A, %mul3A_1 : i32
    %dma_start3A = arith.constant 0 : i32
    %dma_start3A_3 = tpu.memref_slice %arg2[%mul3A_2, %dma_start3A] : memref<1024x2048xf32, #tpu.memory_space<hbm>> -> memref<32x2048xf32, #tpu.memory_space<hbm>>
    %dma_start3A_4 = arith.constant 0 : i32
    %dma_start3A_5 = tpu.memref_slice %arg2[%mul3A_2, %dma_start3A_4] : memref<1024x2048xf32, #tpu.memory_space<hbm>> -> memref<32x2048xf32, #tpu.memory_space<hbm>>
    tpu.enqueue_dma source(%dma_start3A_5 : memref<32x2048xf32, #tpu.memory_space<hbm>>) target(%arg4 : memref<32x2048xf32, #tpu.memory_space<vmem>>) target_semaphore(%arg6 : memref<!tpu.dma_semaphore, #tpu.memory_space<semaphore_mem>>)
    %dma_wait3A = arith.constant 0 : i32
    %dma_wait3A_6 = tpu.memref_slice %arg2[%mul3A_2, %dma_wait3A] : memref<1024x2048xf32, #tpu.memory_space<hbm>> -> memref<32x2048xf32, #tpu.memory_space<hbm>>
    %dma_wait3A_7 = arith.constant 0 : i32
    %dma_wait3A_8 = tpu.memref_slice %arg2[%mul3A_2, %dma_wait3A_7] : memref<1024x2048xf32, #tpu.memory_space<hbm>> -> memref<32x2048xf32, #tpu.memory_space<hbm>>
    tpu.wait_dma2 semaphore(%arg6 : memref<!tpu.dma_semaphore, #tpu.memory_space<semaphore_mem>>) src(%dma_wait3A_8 : memref<32x2048xf32, #tpu.memory_space<hbm>>) dst(%arg4 : memref<32x2048xf32, #tpu.memory_space<vmem>>)
    %scan3A = arith.constant 0 : i32
    %scan3A_9 = arith.constant 128 : i32
    %scan3A_10 = arith.addi %scan3A, %scan3A_9 : i32
    %scan3A_11 = arith.constant 1 : i32
    scf.for %scan3A_13 = %scan3A to %scan3A_10 step %scan3A_11  : i32 {
      %mul3A_14 = arith.constant 1 : i32
      %mul3A_15 = arith.muli %scan3A_13, %mul3A_14 : i32
      %add3A_16 = arith.constant 0 : i32
      %add3A_17 = arith.addi %add3A_16, %mul3A_15 : i32
      %mul3A_18 = arith.constant 16 : i32
      %mul3A_19 = arith.muli %add3A_17, %mul3A_18 : i32
      %get3A = arith.constant 0 : i32
      %get3A_20 = arith.index_cast %get3A : i32 to index
      %get3A_21 = arith.index_cast %mul3A_19 : i32 to index
      %get3A_22 = tpu.vector_load %arg4[%get3A_20, %get3A_21] {strides = array<i32>} : memref<32x2048xf32, #tpu.memory_space<vmem>>, vector<1x16xf32>,
      %get3A_23 = vector.shape_cast %get3A_22 : vector<1x16xf32> to vector<16xf32>
      %get3A_24 = arith.constant 1 : i32
      %get3A_25 = arith.index_cast %get3A_24 : i32 to index
      %get3A_26 = arith.index_cast %mul3A_19 : i32 to index
      %get3A_27 = tpu.vector_load %arg4[%get3A_25, %get3A_26] {strides = array<i32>} : memref<32x2048xf32, #tpu.memory_space<vmem>>, vector<1x16xf32>,
      %get3A_28 = vector.shape_cast %get3A_27 : vector<1x16xf32> to vector<16xf32>
      %add3A_29 = arith.addf %get3A_23, %get3A_28 : vector<16xf32>
      %get3A_30 = arith.constant 2 : i32
      %get3A_31 = arith.index_cast %get3A_30 : i32 to index
      %get3A_32 = arith.index_cast %mul3A_19 : i32 to index
      %get3A_33 = tpu.vector_load %arg4[%get3A_31, %get3A_32] {strides = array<i32>} : memref<32x2048xf32, #tpu.memory_space<vmem>>, vector<1x16xf32>,
      %get3A_34 = vector.shape_cast %get3A_33 : vector<1x16xf32> to vector<16xf32>
      %add3A_35 = arith.addf %add3A_29, %get3A_34 : vector<16xf32>
      %get3A_36 = arith.constant 3 : i32
      %get3A_37 = arith.index_cast %get3A_36 : i32 to index
      %get3A_38 = arith.index_cast %mul3A_19 : i32 to index
      %get3A_39 = tpu.vector_load %arg4[%get3A_37, %get3A_38] {strides = array<i32>} : memref<32x2048xf32, #tpu.memory_space<vmem>>, vector<1x16xf32>,
      %get3A_40 = vector.shape_cast %get3A_39 : vector<1x16xf32> to vector<16xf32>
      %add3A_41 = arith.addf %add3A_35, %get3A_40 : vector<16xf32>
      %get3A_42 = arith.constant 4 : i32
      %get3A_43 = arith.index_cast %get3A_42 : i32 to index
      %get3A_44 = arith.index_cast %mul3A_19 : i32 to index
      %get3A_45 = tpu.vector_load %arg4[%get3A_43, %get3A_44] {strides = array<i32>} : memref<32x2048xf32, #tpu.memory_space<vmem>>, vector<1x16xf32>,
      %get3A_46 = vector.shape_cast %get3A_45 : vector<1x16xf32> to vector<16xf32>
      %add3A_47 = arith.addf %add3A_41, %get3A_46 : vector<16xf32>
      %get3A_48 = arith.constant 5 : i32
      %get3A_49 = arith.index_cast %get3A_48 : i32 to index
      %get3A_50 = arith.index_cast %mul3A_19 : i32 to index
      %get3A_51 = tpu.vector_load %arg4[%get3A_49, %get3A_50] {strides = array<i32>} : memref<32x2048xf32, #tpu.memory_space<vmem>>, vector<1x16xf32>,
      %get3A_52 = vector.shape_cast %get3A_51 : vector<1x16xf32> to vector<16xf32>
      %add3A_53 = arith.addf %add3A_47, %get3A_52 : vector<16xf32>
      %get3A_54 = arith.constant 6 : i32
      %get3A_55 = arith.index_cast %get3A_54 : i32 to index
      %get3A_56 = arith.index_cast %mul3A_19 : i32 to index
      %get3A_57 = tpu.vector_load %arg4[%get3A_55, %get3A_56] {strides = array<i32>} : memref<32x2048xf32, #tpu.memory_space<vmem>>, vector<1x16xf32>,
      %get3A_58 = vector.shape_cast %get3A_57 : vector<1x16xf32> to vector<16xf32>
      %add3A_59 = arith.addf %add3A_53, %get3A_58 : vector<16xf32>
      %get3A_60 = arith.constant 7 : i32
      %get3A_61 = arith.index_cast %get3A_60 : i32 to index
      %get3A_62 = arith.index_cast %mul3A_19 : i32 to index
      %get3A_63 = tpu.vector_load %arg4[%get3A_61, %get3A_62] {strides = array<i32>} : memref<32x2048xf32, #tpu.memory_space<vmem>>, vector<1x16xf32>,
      %get3A_64 = vector.shape_cast %get3A_63 : vector<1x16xf32> to vector<16xf32>
      %add3A_65 = arith.addf %add3A_59, %get3A_64 : vector<16xf32>
      %get3A_66 = arith.constant 8 : i32
      %get3A_67 = arith.index_cast %get3A_66 : i32 to index
      %get3A_68 = arith.index_cast %mul3A_19 : i32 to index
      %get3A_69 = tpu.vector_load %arg4[%get3A_67, %get3A_68] {strides = array<i32>} : memref<32x2048xf32, #tpu.memory_space<vmem>>, vector<1x16xf32>,
      %get3A_70 = vector.shape_cast %get3A_69 : vector<1x16xf32> to vector<16xf32>
      %add3A_71 = arith.addf %add3A_65, %get3A_70 : vector<16xf32>
      %get3A_72 = arith.constant 9 : i32
      %get3A_73 = arith.index_cast %get3A_72 : i32 to index
      %get3A_74 = arith.index_cast %mul3A_19 : i32 to index
      %get3A_75 = tpu.vector_load %arg4[%get3A_73, %get3A_74] {strides = array<i32>} : memref<32x2048xf32, #tpu.memory_space<vmem>>, vector<1x16xf32>,
      %get3A_76 = vector.shape_cast %get3A_75 : vector<1x16xf32> to vector<16xf32>
      %add3A_77 = arith.addf %add3A_71, %get3A_76 : vector<16xf32>
      %get3A_78 = arith.constant 10 : i32
      %get3A_79 = arith.index_cast %get3A_78 : i32 to index
      %get3A_80 = arith.index_cast %mul3A_19 : i32 to index
      %get3A_81 = tpu.vector_load %arg4[%get3A_79, %get3A_80] {strides = array<i32>} : memref<32x2048xf32, #tpu.memory_space<vmem>>, vector<1x16xf32>,
      %get3A_82 = vector.shape_cast %get3A_81 : vector<1x16xf32> to vector<16xf32>
      %add3A_83 = arith.addf %add3A_77, %get3A_82 : vector<16xf32>
      %get3A_84 = arith.constant 11 : i32
      %get3A_85 = arith.index_cast %get3A_84 : i32 to index
      %get3A_86 = arith.index_cast %mul3A_19 : i32 to index
      %get3A_87 = tpu.vector_load %arg4[%get3A_85, %get3A_86] {strides = array<i32>} : memref<32x2048xf32, #tpu.memory_space<vmem>>, vector<1x16xf32>,
      %get3A_88 = vector.shape_cast %get3A_87 : vector<1x16xf32> to vector<16xf32>
      %add3A_89 = arith.addf %add3A_83, %get3A_88 : vector<16xf32>
      %get3A_90 = arith.constant 12 : i32
      %get3A_91 = arith.index_cast %get3A_90 : i32 to index
      %get3A_92 = arith.index_cast %mul3A_19 : i32 to index
      %get3A_93 = tpu.vector_load %arg4[%get3A_91, %get3A_92] {strides = array<i32>} : memref<32x2048xf32, #tpu.memory_space<vmem>>, vector<1x16xf32>,
      %get3A_94 = vector.shape_cast %get3A_93 : vector<1x16xf32> to vector<16xf32>
      %add3A_95 = arith.addf %add3A_89, %get3A_94 : vector<16xf32>
      %get3A_96 = arith.constant 13 : i32
      %get3A_97 = arith.index_cast %get3A_96 : i32 to index
      %get3A_98 = arith.index_cast %mul3A_19 : i32 to index
      %get3A_99 = tpu.vector_load %arg4[%get3A_97, %get3A_98] {strides = array<i32>} : memref<32x2048xf32, #tpu.memory_space<vmem>>, vector<1x16xf32>,
      %get3A_100 = vector.shape_cast %get3A_99 : vector<1x16xf32> to vector<16xf32>
      %add3A_101 = arith.addf %add3A_95, %get3A_100 : vector<16xf32>
      %get3A_102 = arith.constant 14 : i32
      %get3A_103 = arith.index_cast %get3A_102 : i32 to index
      %get3A_104 = arith.index_cast %mul3A_19 : i32 to index
      %get3A_105 = tpu.vector_load %arg4[%get3A_103, %get3A_104] {strides = array<i32>} : memref<32x2048xf32, #tpu.memory_space<vmem>>, vector<1x16xf32>,
      %get3A_106 = vector.shape_cast %get3A_105 : vector<1x16xf32> to vector<16xf32>
      %add3A_107 = arith.addf %add3A_101, %get3A_106 : vector<16xf32>
      %get3A_108 = arith.constant 15 : i32
      %get3A_109 = arith.index_cast %get3A_108 : i32 to index
      %get3A_110 = arith.index_cast %mul3A_19 : i32 to index
      %get3A_111 = tpu.vector_load %arg4[%get3A_109, %get3A_110] {strides = array<i32>} : memref<32x2048xf32, #tpu.memory_space<vmem>>, vector<1x16xf32>,
      %get3A_112 = vector.shape_cast %get3A_111 : vector<1x16xf32> to vector<16xf32>
      %add3A_113 = arith.addf %add3A_107, %get3A_112 : vector<16xf32>
      %get3A_114 = arith.constant 16 : i32
      %get3A_115 = arith.index_cast %get3A_114 : i32 to index
      %get3A_116 = arith.index_cast %mul3A_19 : i32 to index
      %get3A_117 = tpu.vector_load %arg4[%get3A_115, %get3A_116] {strides = array<i32>} : memref<32x2048xf32, #tpu.memory_space<vmem>>, vector<1x16xf32>,
      %get3A_118 = vector.shape_cast %get3A_117 : vector<1x16xf32> to vector<16xf32>
      %add3A_119 = arith.addf %add3A_113, %get3A_118 : vector<16xf32>
      %get3A_120 = arith.constant 17 : i32
      %get3A_121 = arith.index_cast %get3A_120 : i32 to index
      %get3A_122 = arith.index_cast %mul3A_19 : i32 to index
      %get3A_123 = tpu.vector_load %arg4[%get3A_121, %get3A_122] {strides = array<i32>} : memref<32x2048xf32, #tpu.memory_space<vmem>>, vector<1x16xf32>,
      %get3A_124 = vector.shape_cast %get3A_123 : vector<1x16xf32> to vector<16xf32>
      %add3A_125 = arith.addf %add3A_119, %get3A_124 : vector<16xf32>
      %get3A_126 = arith.constant 18 : i32
      %get3A_127 = arith.index_cast %get3A_126 : i32 to index
      %get3A_128 = arith.index_cast %mul3A_19 : i32 to index
      %get3A_129 = tpu.vector_load %arg4[%get3A_127, %get3A_128] {strides = array<i32>} : memref<32x2048xf32, #tpu.memory_space<vmem>>, vector<1x16xf32>,
      %get3A_130 = vector.shape_cast %get3A_129 : vector<1x16xf32> to vector<16xf32>
      %add3A_131 = arith.addf %add3A_125, %get3A_130 : vector<16xf32>
      %get3A_132 = arith.constant 19 : i32
      %get3A_133 = arith.index_cast %get3A_132 : i32 to index
      %get3A_134 = arith.index_cast %mul3A_19 : i32 to index
      %get3A_135 = tpu.vector_load %arg4[%get3A_133, %get3A_134] {strides = array<i32>} : memref<32x2048xf32, #tpu.memory_space<vmem>>, vector<1x16xf32>,
      %get3A_136 = vector.shape_cast %get3A_135 : vector<1x16xf32> to vector<16xf32>
      %add3A_137 = arith.addf %add3A_131, %get3A_136 : vector<16xf32>
      %get3A_138 = arith.constant 20 : i32
      %get3A_139 = arith.index_cast %get3A_138 : i32 to index
      %get3A_140 = arith.index_cast %mul3A_19 : i32 to index
      %get3A_141 = tpu.vector_load %arg4[%get3A_139, %get3A_140] {strides = array<i32>} : memref<32x2048xf32, #tpu.memory_space<vmem>>, vector<1x16xf32>,
      %get3A_142 = vector.shape_cast %get3A_141 : vector<1x16xf32> to vector<16xf32>
      %add3A_143 = arith.addf %add3A_137, %get3A_142 : vector<16xf32>
      %get3A_144 = arith.constant 21 : i32
      %get3A_145 = arith.index_cast %get3A_144 : i32 to index
      %get3A_146 = arith.index_cast %mul3A_19 : i32 to index
      %get3A_147 = tpu.vector_load %arg4[%get3A_145, %get3A_146] {strides = array<i32>} : memref<32x2048xf32, #tpu.memory_space<vmem>>, vector<1x16xf32>,
      %get3A_148 = vector.shape_cast %get3A_147 : vector<1x16xf32> to vector<16xf32>
      %add3A_149 = arith.addf %add3A_143, %get3A_148 : vector<16xf32>
      %get3A_150 = arith.constant 22 : i32
      %get3A_151 = arith.index_cast %get3A_150 : i32 to index
      %get3A_152 = arith.index_cast %mul3A_19 : i32 to index
      %get3A_153 = tpu.vector_load %arg4[%get3A_151, %get3A_152] {strides = array<i32>} : memref<32x2048xf32, #tpu.memory_space<vmem>>, vector<1x16xf32>,
      %get3A_154 = vector.shape_cast %get3A_153 : vector<1x16xf32> to vector<16xf32>
      %add3A_155 = arith.addf %add3A_149, %get3A_154 : vector<16xf32>
      %get3A_156 = arith.constant 23 : i32
      %get3A_157 = arith.index_cast %get3A_156 : i32 to index
      %get3A_158 = arith.index_cast %mul3A_19 : i32 to index
      %get3A_159 = tpu.vector_load %arg4[%get3A_157, %get3A_158] {strides = array<i32>} : memref<32x2048xf32, #tpu.memory_space<vmem>>, vector<1x16xf32>,
      %get3A_160 = vector.shape_cast %get3A_159 : vector<1x16xf32> to vector<16xf32>
      %add3A_161 = arith.addf %add3A_155, %get3A_160 : vector<16xf32>
      %get3A_162 = arith.constant 24 : i32
      %get3A_163 = arith.index_cast %get3A_162 : i32 to index
      %get3A_164 = arith.index_cast %mul3A_19 : i32 to index
      %get3A_165 = tpu.vector_load %arg4[%get3A_163, %get3A_164] {strides = array<i32>} : memref<32x2048xf32, #tpu.memory_space<vmem>>, vector<1x16xf32>,
      %get3A_166 = vector.shape_cast %get3A_165 : vector<1x16xf32> to vector<16xf32>
      %add3A_167 = arith.addf %add3A_161, %get3A_166 : vector<16xf32>
      %get3A_168 = arith.constant 25 : i32
      %get3A_169 = arith.index_cast %get3A_168 : i32 to index
      %get3A_170 = arith.index_cast %mul3A_19 : i32 to index
      %get3A_171 = tpu.vector_load %arg4[%get3A_169, %get3A_170] {strides = array<i32>} : memref<32x2048xf32, #tpu.memory_space<vmem>>, vector<1x16xf32>,
      %get3A_172 = vector.shape_cast %get3A_171 : vector<1x16xf32> to vector<16xf32>
      %add3A_173 = arith.addf %add3A_167, %get3A_172 : vector<16xf32>
      %get3A_174 = arith.constant 26 : i32
      %get3A_175 = arith.index_cast %get3A_174 : i32 to index
      %get3A_176 = arith.index_cast %mul3A_19 : i32 to index
      %get3A_177 = tpu.vector_load %arg4[%get3A_175, %get3A_176] {strides = array<i32>} : memref<32x2048xf32, #tpu.memory_space<vmem>>, vector<1x16xf32>,
      %get3A_178 = vector.shape_cast %get3A_177 : vector<1x16xf32> to vector<16xf32>
      %add3A_179 = arith.addf %add3A_173, %get3A_178 : vector<16xf32>
      %get3A_180 = arith.constant 27 : i32
      %get3A_181 = arith.index_cast %get3A_180 : i32 to index
      %get3A_182 = arith.index_cast %mul3A_19 : i32 to index
      %get3A_183 = tpu.vector_load %arg4[%get3A_181, %get3A_182] {strides = array<i32>} : memref<32x2048xf32, #tpu.memory_space<vmem>>, vector<1x16xf32>,
      %get3A_184 = vector.shape_cast %get3A_183 : vector<1x16xf32> to vector<16xf32>
      %add3A_185 = arith.addf %add3A_179, %get3A_184 : vector<16xf32>
      %get3A_186 = arith.constant 28 : i32
      %get3A_187 = arith.index_cast %get3A_186 : i32 to index
      %get3A_188 = arith.index_cast %mul3A_19 : i32 to index
      %get3A_189 = tpu.vector_load %arg4[%get3A_187, %get3A_188] {strides = array<i32>} : memref<32x2048xf32, #tpu.memory_space<vmem>>, vector<1x16xf32>,
      %get3A_190 = vector.shape_cast %get3A_189 : vector<1x16xf32> to vector<16xf32>
      %add3A_191 = arith.addf %add3A_185, %get3A_190 : vector<16xf32>
      %get3A_192 = arith.constant 29 : i32
      %get3A_193 = arith.index_cast %get3A_192 : i32 to index
      %get3A_194 = arith.index_cast %mul3A_19 : i32 to index
      %get3A_195 = tpu.vector_load %arg4[%get3A_193, %get3A_194] {strides = array<i32>} : memref<32x2048xf32, #tpu.memory_space<vmem>>, vector<1x16xf32>,
      %get3A_196 = vector.shape_cast %get3A_195 : vector<1x16xf32> to vector<16xf32>
      %add3A_197 = arith.addf %add3A_191, %get3A_196 : vector<16xf32>
      %get3A_198 = arith.constant 30 : i32
      %get3A_199 = arith.index_cast %get3A_198 : i32 to index
      %get3A_200 = arith.index_cast %mul3A_19 : i32 to index
      %get3A_201 = tpu.vector_load %arg4[%get3A_199, %get3A_200] {strides = array<i32>} : memref<32x2048xf32, #tpu.memory_space<vmem>>, vector<1x16xf32>,
      %get3A_202 = vector.shape_cast %get3A_201 : vector<1x16xf32> to vector<16xf32>
      %add3A_203 = arith.addf %add3A_197, %get3A_202 : vector<16xf32>
      %get3A_204 = arith.constant 31 : i32
      %get3A_205 = arith.index_cast %get3A_204 : i32 to index
      %get3A_206 = arith.index_cast %mul3A_19 : i32 to index
      %get3A_207 = tpu.vector_load %arg4[%get3A_205, %get3A_206] {strides = array<i32>} : memref<32x2048xf32, #tpu.memory_space<vmem>>, vector<1x16xf32>,
      %get3A_208 = vector.shape_cast %get3A_207 : vector<1x16xf32> to vector<16xf32>
      %add3A_209 = arith.addf %add3A_203, %get3A_208 : vector<16xf32>
      %swap3A = arith.constant 0 : i32
      %swap3A_210 = arith.index_cast %swap3A : i32 to index
      %swap3A_211 = arith.index_cast %mul3A_19 : i32 to index
      %swap3A_212 = tpu.vector_load %arg5[%swap3A_210, %swap3A_211] {strides = array<i32>} : memref<1x2048xf32, #tpu.memory_space<vmem>>, vector<1x16xf32>,
      %swap3A_213 = vector.shape_cast %swap3A_212 : vector<1x16xf32> to vector<16xf32>
      %swap3A_214 = vector.shape_cast %add3A_209 : vector<16xf32> to vector<1x16xf32>
      tpu.vector_store %arg5[%swap3A_210, %swap3A_211], %swap3A_214 {strides = array<i32>} : memref<1x2048xf32, #tpu.memory_space<vmem>>, vector<1x16xf32>,
    }
    %scan3A_12 = arith.constant 128 : i32
    "tpu.region"() ({
      %run_scoped3A = tpu.sem_alloc : memref<!tpu.dma_semaphore, #tpu.memory_space<semaphore_mem>>
      %dma_start3A_13 = arith.constant 0 : i32
      %dma_start3A_14 = tpu.memref_slice %arg3[%add3A, %dma_start3A_13] : memref<32x2048xf32, #tpu.memory_space<hbm>> -> memref<1x2048xf32, #tpu.memory_space<hbm>>
      %dma_start3A_15 = arith.constant 0 : i32
      %dma_start3A_16 = tpu.memref_slice %arg3[%add3A, %dma_start3A_15] : memref<32x2048xf32, #tpu.memory_space<hbm>> -> memref<1x2048xf32, #tpu.memory_space<hbm>>
      tpu.enqueue_dma source(%arg5 : memref<1x2048xf32, #tpu.memory_space<vmem>>) target(%dma_start3A_16 : memref<1x2048xf32, #tpu.memory_space<hbm>>) target_semaphore(%run_scoped3A : memref<!tpu.dma_semaphore, #tpu.memory_space<semaphore_mem>>)
      %dma_wait3A_17 = arith.constant 0 : i32
      %dma_wait3A_18 = tpu.memref_slice %arg3[%add3A, %dma_wait3A_17] : memref<32x2048xf32, #tpu.memory_space<hbm>> -> memref<1x2048xf32, #tpu.memory_space<hbm>>
      %dma_wait3A_19 = arith.constant 0 : i32
      %dma_wait3A_20 = tpu.memref_slice %arg3[%add3A, %dma_wait3A_19] : memref<32x2048xf32, #tpu.memory_space<hbm>> -> memref<1x2048xf32, #tpu.memory_space<hbm>>
      tpu.wait_dma2 semaphore(%run_scoped3A : memref<!tpu.dma_semaphore, #tpu.memory_space<semaphore_mem>>) src(%arg5 : memref<1x2048xf32, #tpu.memory_space<vmem>>) dst(%dma_wait3A_20 : memref<1x2048xf32, #tpu.memory_space<hbm>>)
      tpu.yield
    }) : () -> ()
    return
  }
}

module attributes {stable_mosaic.version = 14 : i64} {
  func.func @_tc_body(%arg0: i32, %arg1: memref<32x2048xf32, #tpu.memory_space<vmem>>, %arg2: memref<256x2048xf32, #tpu.memory_space<vmem>>, %arg3: memref<256x2048xf32, #tpu.memory_space<vmem>>, %arg4: memref<1x2048xf32, #tpu.memory_space<vmem>>, %arg5: memref<1x2048xf32, #tpu.memory_space<vmem>>, %arg6: memref<1x2048xf32, #tpu.memory_space<vmem>>, %arg7: memref<256x2048xf32, #tpu.memory_space<vmem>>, %arg8: memref<256x2048xf32, #tpu.memory_space<vmem>>, %arg9: memref<1026x512xf32, #tpu.memory_space<vmem>>, %arg10: memref<1x2048xf32, #tpu.memory_space<vmem>>, %arg11: memref<1x2048xf32, #tpu.memory_space<vmem>>, %arg12: memref<2x2048xf32, #tpu.memory_space<vmem>>) attributes {dimension_semantics = [#tpu.dimension_semantics<arbitrary>], iteration_bounds = array<i64: 6>, scalar_prefetch = 0 : i64, scratch_operands = 3 : i64, tpu.core_type = #tpu.core_type<tc>, window_params = [{pipeline_mode = #tpu.pipeline_mode<synchronous>, transform_indices = @transform_0, window_bounds = array<i64: 32, 2048>}, {transform_indices = @transform_1, window_bounds = array<i64: 256, 2048>}, {transform_indices = @transform_2, window_bounds = array<i64: 256, 2048>}, {pipeline_mode = #tpu.pipeline_mode<synchronous>, transform_indices = @transform_3, window_bounds = array<i64: 1, 2048>}, {pipeline_mode = #tpu.pipeline_mode<synchronous>, transform_indices = @transform_4, window_bounds = array<i64: 1, 2048>}, {pipeline_mode = #tpu.pipeline_mode<synchronous>, transform_indices = @transform_5, window_bounds = array<i64: 1, 2048>}, {transform_indices = @transform_6, window_bounds = array<i64: 256, 2048>}, {transform_indices = @transform_7, window_bounds = array<i64: 256, 2048>}, {transform_indices = @transform_8, window_bounds = array<i64: 1026, 512>}]} {
    %eq3A = arith.constant 0 : i32
    %eq3A_0 = arith.cmpi eq, %arg0, %eq3A : i32
    %convert_element_type3A = arith.extui %eq3A_0 : i1 to i32
    %cond3A = arith.constant 0 : i32
    %cond3A_1 = arith.cmpi ne, %convert_element_type3A, %cond3A : i32
    scf.if %cond3A_1 {
      %get3A = arith.constant 0 : index
      %get3A_15 = arith.constant 0 : index
      %get3A_16 = vector.load %arg1[%get3A, %get3A_15] : memref<32x2048xf32, #tpu.memory_space<vmem>>, vector<32x2048xf32>
      %reduce_sum3A = arith.constant dense<0.000000e+00> : vector<2048xf32>
      %reduce_sum3A_17 = vector.multi_reduction <add>, %get3A_16, %reduce_sum3A [0] : vector<32x2048xf32> to vector<2048xf32>
      %broadcast_in_dim3A = vector.shape_cast %reduce_sum3A_17 : vector<2048xf32> to vector<1x2048xf32>
      %swap3A = arith.constant 0 : index
      %swap3A_18 = arith.constant 0 : index
      %swap3A_19 = vector.load %arg10[%swap3A, %swap3A_18] : memref<1x2048xf32, #tpu.memory_space<vmem>>, vector<1x2048xf32>
      tpu.vector_store %arg10[%swap3A, %swap3A_18], %broadcast_in_dim3A {strides = array<i32>} : memref<1x2048xf32, #tpu.memory_space<vmem>>, vector<1x2048xf32>,
      %broadcast_in_dim3A_20 = arith.constant 0.000000e+00 : f32
      %broadcast_in_dim3A_21 = vector.broadcast %broadcast_in_dim3A_20 : f32 to vector<1x2048xf32>
      %swap3A_22 = arith.constant 0 : index
      %swap3A_23 = arith.constant 0 : index
      %swap3A_24 = vector.load %arg11[%swap3A_22, %swap3A_23] : memref<1x2048xf32, #tpu.memory_space<vmem>>, vector<1x2048xf32>
      tpu.vector_store %arg11[%swap3A_22, %swap3A_23], %broadcast_in_dim3A_21 {strides = array<i32>} : memref<1x2048xf32, #tpu.memory_space<vmem>>, vector<1x2048xf32>,
    } else {
    }
    %lt3A = arith.constant 4 : i32
    %lt3A_2 = arith.cmpi slt, %arg0, %lt3A : i32
    %convert_element_type3A_3 = arith.extui %lt3A_2 : i1 to i32
    %cond3A_4 = arith.constant 0 : i32
    %cond3A_5 = arith.cmpi ne, %convert_element_type3A_3, %cond3A_4 : i32
    scf.if %cond3A_5 {
      %mul3A = arith.constant 2 : i32
      %mul3A_15 = arith.muli %mul3A, %arg0 : i32
      %mul3A_16 = arith.constant 256 : i32
      %mul3A_17 = arith.muli %mul3A_15, %mul3A_16 : i32
      %get3A = arith.constant 0 : index
      %get3A_18 = arith.index_cast %mul3A_17 : i32 to index
      %get3A_19 = vector.load %arg10[%get3A, %get3A_18] : memref<1x2048xf32, #tpu.memory_space<vmem>>, vector<1x256xf32>
      %mul3A_20 = arith.constant 2 : i32
      %mul3A_21 = arith.muli %mul3A_20, %arg0 : i32
      %add3A = arith.constant 1 : i32
      %add3A_22 = arith.addi %mul3A_21, %add3A : i32
      %mul3A_23 = arith.constant 256 : i32
      %mul3A_24 = arith.muli %add3A_22, %mul3A_23 : i32
      %get3A_25 = arith.constant 0 : index
      %get3A_26 = arith.index_cast %mul3A_24 : i32 to index
      %get3A_27 = vector.load %arg10[%get3A_25, %get3A_26] : memref<1x2048xf32, #tpu.memory_space<vmem>>, vector<1x256xf32>
      %get3A_28 = arith.constant 0 : index
      %get3A_29 = arith.constant 0 : index
      %get3A_30 = vector.load %arg11[%get3A_28, %get3A_29] : memref<1x2048xf32, #tpu.memory_space<vmem>>, vector<1x2048xf32>
      %get3A_31 = arith.constant 0 : index
      %get3A_32 = arith.constant 0 : index
      %get3A_33 = vector.load %arg2[%get3A_31, %get3A_32] : memref<256x2048xf32, #tpu.memory_space<vmem>>, vector<256x2048xf32>
      %dot_general3A = arith.constant dense<0.000000e+00> : vector<1x2048xf32>
      %dot_general3A_34 = tpu.matmul %get3A_19, %get3A_33, %dot_general3A {dimension_numbers = #tpu.dot_dimension_numbers<[1], [0], [0], [1], [0, 0, 1, 1], [], []>, transpose_lhs_hint = false} : vector<1x256xf32>, vector<256x2048xf32>, vector<1x2048xf32> -> vector<1x2048xf32>
      %get3A_35 = arith.constant 0 : index
      %get3A_36 = arith.constant 0 : index
      %get3A_37 = vector.load %arg3[%get3A_35, %get3A_36] : memref<256x2048xf32, #tpu.memory_space<vmem>>, vector<256x2048xf32>
      %dot_general3A_38 = arith.constant dense<0.000000e+00> : vector<1x2048xf32>
      %dot_general3A_39 = tpu.matmul %get3A_27, %get3A_37, %dot_general3A_38 {dimension_numbers = #tpu.dot_dimension_numbers<[1], [0], [0], [1], [0, 0, 1, 1], [], []>, transpose_lhs_hint = false} : vector<1x256xf32>, vector<256x2048xf32>, vector<1x2048xf32> -> vector<1x2048xf32>
      %add3A_40 = arith.addf %dot_general3A_34, %dot_general3A_39 : vector<1x2048xf32>
      %add3A_41 = arith.addf %get3A_30, %add3A_40 : vector<1x2048xf32>
      %swap3A = arith.constant 0 : index
      %swap3A_42 = arith.constant 0 : index
      %swap3A_43 = vector.load %arg11[%swap3A, %swap3A_42] : memref<1x2048xf32, #tpu.memory_space<vmem>>, vector<1x2048xf32>
      tpu.vector_store %arg11[%swap3A, %swap3A_42], %add3A_41 {strides = array<i32>} : memref<1x2048xf32, #tpu.memory_space<vmem>>, vector<1x2048xf32>,
    } else {
    }
    %eq3A_6 = arith.constant 4 : i32
    %eq3A_7 = arith.cmpi eq, %arg0, %eq3A_6 : i32
    %convert_element_type3A_8 = arith.extui %eq3A_7 : i1 to i32
    %cond3A_9 = arith.constant 0 : i32
    %cond3A_10 = arith.cmpi ne, %convert_element_type3A_8, %cond3A_9 : i32
    scf.if %cond3A_10 {
      %get3A = arith.constant 0 : index
      %get3A_15 = arith.constant 0 : index
      %get3A_16 = vector.load %arg11[%get3A, %get3A_15] : memref<1x2048xf32, #tpu.memory_space<vmem>>, vector<1x2048xf32>
      %mul3A = arith.constant 9.75609757E-4 : f32
      %mul3A_17 = vector.broadcast %mul3A : f32 to vector<1x2048xf32>
      %mul3A_18 = arith.mulf %get3A_16, %mul3A_17 : vector<1x2048xf32>
      %get3A_19 = arith.constant 0 : index
      %get3A_20 = arith.constant 0 : index
      %get3A_21 = vector.load %arg4[%get3A_19, %get3A_20] : memref<1x2048xf32, #tpu.memory_space<vmem>>, vector<1x2048xf32>
      %add3A = arith.addf %mul3A_18, %get3A_21 : vector<1x2048xf32>
      %get3A_22 = arith.constant 0 : index
      %get3A_23 = arith.constant 0 : index
      %get3A_24 = vector.load %arg4[%get3A_22, %get3A_23] : memref<1x2048xf32, #tpu.memory_space<vmem>>, vector<1x2048xf32>
      %concatenate3A = tpu.concatenate %add3A, %get3A_24 in 0 : vector<1x2048xf32>, vector<1x2048xf32> -> vector<2x2048xf32>
      %ge3A_25 = arith.constant 0.000000e+00 : f32
      %ge3A_26 = vector.broadcast %ge3A_25 : f32 to vector<2x2048xf32>
      %ge3A_27 = arith.cmpf oge, %concatenate3A, %ge3A_26 : vector<2x2048xf32>
      %mul3A_28 = arith.constant 2.000000e-01 : f32
      %mul3A_29 = vector.broadcast %mul3A_28 : f32 to vector<2x2048xf32>
      %mul3A_30 = arith.mulf %mul3A_29, %concatenate3A : vector<2x2048xf32>
      %select_n3A = arith.select %ge3A_27, %concatenate3A, %mul3A_30 : vector<2x2048xi1>, vector<2x2048xf32>
      %get3A_31 = arith.constant 0 : index
      %get3A_32 = arith.constant 0 : index
      %get3A_33 = vector.load %arg5[%get3A_31, %get3A_32] : memref<1x2048xf32, #tpu.memory_space<vmem>>, vector<1x2048xf32>
      %mul3A_34 = arith.constant 0.999994993 : f32
      %mul3A_35 = vector.broadcast %mul3A_34 : f32 to vector<1x2048xf32>
      %mul3A_36 = arith.mulf %get3A_33, %mul3A_35 : vector<1x2048xf32>
      %mul3A_37 = vector.broadcast %mul3A_36 : vector<1x2048xf32> to vector<2x2048xf32>
      %mul3A_38 = arith.mulf %select_n3A, %mul3A_37 : vector<2x2048xf32>
      %get3A_39 = arith.constant 0 : index
      %get3A_40 = arith.constant 0 : index
      %get3A_41 = vector.load %arg6[%get3A_39, %get3A_40] : memref<1x2048xf32, #tpu.memory_space<vmem>>, vector<1x2048xf32>
      %add3A_42 = vector.broadcast %get3A_41 : vector<1x2048xf32> to vector<2x2048xf32>
      %add3A_43 = arith.addf %mul3A_38, %add3A_42 : vector<2x2048xf32>
      %swap3A = arith.constant 0 : index
      %swap3A_44 = arith.constant 0 : index
      %swap3A_45 = vector.load %arg12[%swap3A, %swap3A_44] : memref<2x2048xf32, #tpu.memory_space<vmem>>, vector<2x2048xf32>
      tpu.vector_store %arg12[%swap3A, %swap3A_44], %add3A_43 {strides = array<i32>} : memref<2x2048xf32, #tpu.memory_space<vmem>>, vector<2x2048xf32>,
    } else {
    }
    %ge3A = arith.constant 4 : i32
    %ge3A_11 = arith.cmpi sge, %arg0, %ge3A : i32
    %convert_element_type3A_12 = arith.extui %ge3A_11 : i1 to i32
    %cond3A_13 = arith.constant 0 : i32
    %cond3A_14 = arith.cmpi ne, %convert_element_type3A_12, %cond3A_13 : i32
    scf.if %cond3A_14 {
      %get3A = arith.constant 0 : index
      %get3A_15 = arith.constant 0 : index
      %get3A_16 = vector.load %arg12[%get3A, %get3A_15] : memref<2x2048xf32, #tpu.memory_space<vmem>>, vector<2x2048xf32>
      %get3A_17 = arith.constant 0 : index
      %get3A_18 = arith.constant 0 : index
      %get3A_19 = vector.load %arg7[%get3A_17, %get3A_18] : memref<256x2048xf32, #tpu.memory_space<vmem>>, vector<256x2048xf32>
      %dot_general3A = arith.constant dense<0.000000e+00> : vector<2x256xf32>
      %dot_general3A_20 = tpu.matmul %get3A_16, %get3A_19, %dot_general3A {dimension_numbers = #tpu.dot_dimension_numbers<[1], [1], [0], [0], [0, 0, 1, 0], [], []>, transpose_lhs_hint = false} : vector<2x2048xf32>, vector<256x2048xf32>, vector<2x256xf32> -> vector<2x256xf32>
      %get3A_21 = arith.constant 0 : index
      %get3A_22 = arith.constant 0 : index
      %get3A_23 = vector.load %arg12[%get3A_21, %get3A_22] : memref<2x2048xf32, #tpu.memory_space<vmem>>, vector<2x2048xf32>
      %get3A_24 = arith.constant 0 : index
      %get3A_25 = arith.constant 0 : index
      %get3A_26 = vector.load %arg8[%get3A_24, %get3A_25] : memref<256x2048xf32, #tpu.memory_space<vmem>>, vector<256x2048xf32>
      %dot_general3A_27 = arith.constant dense<0.000000e+00> : vector<2x256xf32>
      %dot_general3A_28 = tpu.matmul %get3A_23, %get3A_26, %dot_general3A_27 {dimension_numbers = #tpu.dot_dimension_numbers<[1], [1], [0], [0], [0, 0, 1, 0], [], []>, transpose_lhs_hint = false} : vector<2x2048xf32>, vector<256x2048xf32>, vector<2x256xf32> -> vector<2x256xf32>
      %concatenate3A = tpu.concatenate %dot_general3A_20, %dot_general3A_28 in 1 : vector<2x256xf32>, vector<2x256xf32> -> vector<2x512xf32>
      %iota3A = tpu.iota {dimensions = array<i32: 0>} : vector<1026x1xi32>
      %eq3A_29 = arith.constant 1024 : i32
      %eq3A_30 = vector.broadcast %eq3A_29 : i32 to vector<1026x1xi32>
      %eq3A_31 = arith.cmpi eq, %iota3A, %eq3A_30 : vector<1026x1xi32>
      %slice3A = vector.extract_strided_slice %concatenate3A {offsets = [1, 0], sizes = [1, 512], strides = [1, 1]} : vector<2x512xf32> to vector<1x512xf32>
      %slice3A_32 = vector.extract_strided_slice %concatenate3A {offsets = [0, 0], sizes = [1, 512], strides = [1, 1]} : vector<2x512xf32> to vector<1x512xf32>
      %broadcast_in_dim3A = vector.shape_cast %eq3A_31 : vector<1026x1xi1> to vector<1026x1xi1>
      %broadcast_in_dim3A_33 = vector.broadcast %broadcast_in_dim3A : vector<1026x1xi1> to vector<1026x512xi1>
      %broadcast_in_dim3A_34 = vector.shape_cast %slice3A : vector<1x512xf32> to vector<1x512xf32>
      %broadcast_in_dim3A_35 = vector.broadcast %broadcast_in_dim3A_34 : vector<1x512xf32> to vector<1026x512xf32>
      %broadcast_in_dim3A_36 = vector.shape_cast %slice3A_32 : vector<1x512xf32> to vector<1x512xf32>
      %broadcast_in_dim3A_37 = vector.broadcast %broadcast_in_dim3A_36 : vector<1x512xf32> to vector<1026x512xf32>
      %select_n3A = arith.select %broadcast_in_dim3A_33, %broadcast_in_dim3A_35, %broadcast_in_dim3A_37 : vector<1026x512xi1>, vector<1026x512xf32>
      %swap3A = arith.constant 0 : index
      %swap3A_38 = arith.constant 0 : index
      %swap3A_39 = vector.load %arg9[%swap3A, %swap3A_38] : memref<1026x512xf32, #tpu.memory_space<vmem>>, vector<1026x512xf32>
      tpu.vector_store %arg9[%swap3A, %swap3A_38], %select_n3A {strides = array<i32>} : memref<1026x512xf32, #tpu.memory_space<vmem>>, vector<1026x512xf32>,
    } else {
    }
    return
  }
  func.func @transform_0(%arg0: i32) -> (i32, i32) {
    %c0_i32 = arith.constant 0 : i32
    %c0_i32_0 = arith.constant 0 : i32
    %c0_i32_1 = arith.constant 0 : i32
    return %c0_i32, %c0_i32_0 : i32, i32
  }
  func.func @transform_1(%arg0: i32) -> (i32, i32) {
    %min3A = arith.constant 3 : i32
    %min3A_0 = arith.minsi %arg0, %min3A : i32
    %max3A = arith.constant 0 : i32
    %max3A_1 = arith.maxsi %max3A, %min3A_0 : i32
    %mul3A = arith.constant 2 : i32
    %mul3A_2 = arith.muli %mul3A, %max3A_1 : i32
    %c0_i32 = arith.constant 0 : i32
    %c0_i32_3 = arith.constant 0 : i32
    return %mul3A_2, %c0_i32 : i32, i32
  }
  func.func @transform_2(%arg0: i32) -> (i32, i32) {
    %min3A = arith.constant 3 : i32
    %min3A_0 = arith.minsi %arg0, %min3A : i32
    %max3A = arith.constant 0 : i32
    %max3A_1 = arith.maxsi %max3A, %min3A_0 : i32
    %mul3A = arith.constant 2 : i32
    %mul3A_2 = arith.muli %mul3A, %max3A_1 : i32
    %add3A = arith.constant 1 : i32
    %add3A_3 = arith.addi %mul3A_2, %add3A : i32
    %c0_i32 = arith.constant 0 : i32
    %c0_i32_4 = arith.constant 0 : i32
    return %add3A_3, %c0_i32 : i32, i32
  }
  func.func @transform_3(%arg0: i32) -> (i32, i32) {
    %c0_i32 = arith.constant 0 : i32
    %c0_i32_0 = arith.constant 0 : i32
    %c0_i32_1 = arith.constant 0 : i32
    return %c0_i32, %c0_i32_0 : i32, i32
  }
  func.func @transform_4(%arg0: i32) -> (i32, i32) {
    %c0_i32 = arith.constant 0 : i32
    %c0_i32_0 = arith.constant 0 : i32
    %c0_i32_1 = arith.constant 0 : i32
    return %c0_i32, %c0_i32_0 : i32, i32
  }
  func.func @transform_5(%arg0: i32) -> (i32, i32) {
    %c0_i32 = arith.constant 0 : i32
    %c0_i32_0 = arith.constant 0 : i32
    %c0_i32_1 = arith.constant 0 : i32
    return %c0_i32, %c0_i32_0 : i32, i32
  }
  func.func @transform_6(%arg0: i32) -> (i32, i32) {
    %sub3A = arith.constant 4 : i32
    %sub3A_0 = arith.subi %arg0, %sub3A : i32
    %min3A = arith.constant 1 : i32
    %min3A_1 = arith.minsi %sub3A_0, %min3A : i32
    %max3A = arith.constant 0 : i32
    %max3A_2 = arith.maxsi %max3A, %min3A_1 : i32
    %mul3A = arith.constant 2 : i32
    %mul3A_3 = arith.muli %mul3A, %max3A_2 : i32
    %c0_i32 = arith.constant 0 : i32
    %c0_i32_4 = arith.constant 0 : i32
    return %mul3A_3, %c0_i32 : i32, i32
  }
  func.func @transform_7(%arg0: i32) -> (i32, i32) {
    %sub3A = arith.constant 4 : i32
    %sub3A_0 = arith.subi %arg0, %sub3A : i32
    %min3A = arith.constant 1 : i32
    %min3A_1 = arith.minsi %sub3A_0, %min3A : i32
    %max3A = arith.constant 0 : i32
    %max3A_2 = arith.maxsi %max3A, %min3A_1 : i32
    %mul3A = arith.constant 2 : i32
    %mul3A_3 = arith.muli %mul3A, %max3A_2 : i32
    %add3A = arith.constant 1 : i32
    %add3A_4 = arith.addi %mul3A_3, %add3A : i32
    %c0_i32 = arith.constant 0 : i32
    %c0_i32_5 = arith.constant 0 : i32
    return %add3A_4, %c0_i32 : i32, i32
  }
  func.func @transform_8(%arg0: i32) -> (i32, i32) {
    %sub3A = arith.constant 4 : i32
    %sub3A_0 = arith.subi %arg0, %sub3A : i32
    %min3A = arith.constant 1 : i32
    %min3A_1 = arith.minsi %sub3A_0, %min3A : i32
    %max3A = arith.constant 0 : i32
    %max3A_2 = arith.maxsi %max3A, %min3A_1 : i32
    %c0_i32 = arith.constant 0 : i32
    %c0_i32_3 = arith.constant 0 : i32
    return %c0_i32, %max3A_2 : i32, i32
  }
}

</mosaic_0001>

<sc_bundles>
// kernel: kernel.4.cloned.1.call-start
scs
__scs_entry_jumppad:
0x0: {  	(pc) =	sbr.rel $0x88, $3  }
0x1: {  	(tag) =	ssettag $0x0;
	lr =	simm.s32 $0x1  }
0x2: {  	[smem:$0x3F9B] =	sst lr;
	_ =	strace $0xD0000000  }
0x3: {  	_ = 	snop  }
0x4: {  	_ = 	snop  }
0x5: {  	_ = 	snop  }
0x6: {  	_ = 	snop  }
0x7: {  	_ = 	snop  }
__scs_overlays_trampoline_lowered:
0x8: {  	[smem:$0x3FAA] =	sst s0  }
0x9: {  	[smem:$0x3FAB] =	sst s1  }
0xa: {  	[smem:$0x3FAC] =	sst s2  }
0xb: {  	[smem:$0x3FAD] =	sst s3  }
0xc: {  	[smem:$0x3FAE] =	sst s4  }
0xd: {  	[smem:$0x3FAF] =	sst s5  }
0xe: {  	[smem:$0x3FB0] =	sst s6  }
0xf: {  	[smem:$0x3FB1] =	sst s7  }
0x10: {  	[smem:$0x3FB2] =	sst s8  }
0x11: {  	[smem:$0x3FB3] =	sst s9;
	s0 =	simm.s32 @!p0 $0x0  }
0x12: {  	s1 =	sld [smem:$0x3F99];
	s0 =	simm.s32 @p0 $0x1  }
0x13: {  	[smem:$0x3FB4] =	sst s0;
	s0 =	simm.s32 @!p1 $0x0  }
0x14: {  	s2 =	sld [smem:$0x3F98];
	s0 =	simm.s32 @p1 $0x1  }
0x15: {  	[smem:$0x3FB5] =	sst s0;
	s0 =	simm.s32 @!p2 $0x0  }
0x16: {  	s3 =	sld [smem:$0x3FDB];
	s0 =	simm.s32 @p2 $0x1  }
0x17: {  	s4 =	simm.s32 $0x1BF5;
	[smem:$0x3FB7] =	sst s0  }
0x18: {  	s0 =	sld [smem:$0x3F9A];
	_ =	swait.ge [sflag:s4], $0x0  }
0x19: {  	s7 =	sld [smem:$0x3F9B]  }
0x1a: {  	s8 =	sadd.s32 $0xFFFFE003, lr  }
0x1b: {  	s9 =	sadd.s32 $0xFFFFFEF7, lr;
	s5 =	simm.s32 $0xFFFFFFFF;
	p2 =	slt.u32 s8, $0xFFFFF086  }
0x1c: {  	p1 =	slt.u32 s9, $0xF7A;
	s5 =	simm.s32 @!p2 $0x0  }
0x1d: {  	s5 =	simm.s32 @p1 $0x1;
	p0 =	seq.s32 s7, s2  }
0x1e: {  	s7 =	smul.u32 @!p0 $0xF7A, s2;
	p2 =	seq.s32 @!p0 s5, $0x0  }
0x1f: {  	s9 =	smul.u32 $0xF7A, s1;
	s8 =	simm.s32 @!p0 $0x1BF5;
	p2 =	por !p2, p0  }
0x20: {  	[sflag:s8] =	ssyncset.s32 @!p0 $0xFFFFF086;
	s6 =	sadd.s32 @!p0 s3, s7;
	s7 =	simm.s32 @!p0 $0x108  }
0x21: {  	s3 =	sadd.s32 s3, s9;
	s6 =	sadd.s32 @!p0 $0x88, s6;
	s7 =	simm.s32 @p2 $0x1082  }
0x22: {  	[simem:s7], [sflag:s8] =	dma.local @!p0 [hbm:s6], $0xF7A  }
0x23: {  	s9 =	sor.u32 $0xD0000000, s2;
	s6 =	simm.s32 $0x108;
	_ =	swait.ge @!p0 [sflag:s8], $0x0  }
0x24: {  	s3 =	sadd.s32 $0x88, s3;
	s6 =	simm.s32 @!p1 $0x1082;
	[sflag:s4] =	ssyncset.s32 $0xFFFFF086  }
0x25: {  	[simem:s6], [sflag:s4] =	dma.local [hbm:s3], $0xF7A  }
0x26: {  	[smem:$0x3F9B] =	sst s1;
	(tag) =	ssettag s2;
	_ =	strace s9  }
0x27: {  	s1 =	sld [smem:$0x3FAB]  }
0x28: {  	s2 =	sld [smem:$0x3FAC]  }
0x29: {  	s4 =	sld [smem:$0x3FAE]  }
0x2a: {  	p0 =	seq.s32 s5, $0x0;
	s5 =	sld [smem:$0x3FAF]  }
0x2b: {  	s6 =	sld [smem:$0x3FB0]  }
0x2c: {  	s7 =	sld [smem:$0x3FB1]  }
0x2d: {  	s3 =	simm.s32 $0x108;
	s8 =	sld [smem:$0x3FB2]  }
0x2e: {  	s3 =	simm.s32 @!p0 $0x1082;
	s9 =	sld [smem:$0x3FB3]  }
0x2f: {  	lr =	sadd.s32 s0, s3;
	s0 =	sld [smem:$0x3FAA]  }
0x30: {  	s3 =	sld [smem:$0x3FAD]  }
0x31: {  	[smem:$0x3FB6] =	sst s10  }
0x32: {  	s10 =	sld [smem:$0x3FB4];
	_ =	sdelay $0x3  }
0x33: {  	p0 =	seq.s32 s10, $0x1;
	s10 =	sld [smem:$0x3FB6];
	_ =	sdelay $0x3  }
0x34: {  	[smem:$0x3FB6] =	sst s10  }
0x35: {  	s10 =	sld [smem:$0x3FB5];
	_ =	sdelay $0x3  }
0x36: {  	p1 =	seq.s32 s10, $0x1;
	s10 =	sld [smem:$0x3FB6];
	_ =	sdelay $0x3  }
0x37: {  	[smem:$0x3FB6] =	sst s10  }
0x38: {  	s10 =	sld [smem:$0x3FB7]  }
0x39: {  	_ = 	snop;
	(pc) =	sbr.ind lr, $3  }
0x3a: {  	_ = 	snop  }
0x3b: {  	_ = 	snop  }
0x3c: {  	p2 =	seq.s32 s10, $0x1;
	s10 =	sld [smem:$0x3FB6]  }
0x3d: {  	_ =	shalt  }
0x3e: {  	_ =	shalt  }
0x3f: {  	_ =	shalt  }
0x40: {  	_ =	shalt  }
0x41: {  	_ =	shalt  }
0x42: {  	_ =	shalt  }
0x43: {  	_ =	shalt  }
0x44: {  	_ =	shalt  }
0x45: {  	_ =	shalt  }
0x46: {  	_ =	shalt  }
0x47: {  	_ =	shalt  }
0x48: {  	_ =	shalt  }
0x49: {  	_ =	shalt  }
0x4a: {  	_ =	shalt  }
0x4b: {  	_ =	shalt  }
0x4c: {  	_ =	shalt  }
0x4d: {  	_ =	shalt  }
0x4e: {  	_ =	shalt  }
0x4f: {  	_ =	shalt  }
0x50: {  	_ =	shalt  }
0x51: {  	_ =	shalt  }
0x52: {  	_ =	shalt  }
0x53: {  	_ =	shalt  }
0x54: {  	_ =	shalt  }
0x55: {  	_ =	shalt  }
0x56: {  	_ =	shalt  }
0x57: {  	_ =	shalt  }
0x58: {  	_ =	shalt  }
0x59: {  	_ =	shalt  }
0x5a: {  	_ =	shalt  }
0x5b: {  	_ =	shalt  }
0x5c: {  	_ =	shalt  }
0x5d: {  	_ =	shalt  }
0x5e: {  	_ =	shalt  }
0x5f: {  	_ =	shalt  }
0x60: {  	_ =	shalt  }
0x61: {  	_ =	shalt  }
0x62: {  	_ =	shalt  }
0x63: {  	_ =	shalt  }
0x64: {  	_ =	shalt  }
0x65: {  	_ =	shalt  }
0x66: {  	_ =	shalt  }
0x67: {  	_ =	shalt  }
0x68: {  	_ =	shalt  }
0x69: {  	_ =	shalt  }
0x6a: {  	_ =	shalt  }
0x6b: {  	_ =	shalt  }
0x6c: {  	_ =	shalt  }
0x6d: {  	_ =	shalt  }
0x6e: {  	_ =	shalt  }
0x6f: {  	_ =	shalt  }
0x70: {  	_ =	shalt  }
0x71: {  	_ =	shalt  }
0x72: {  	_ =	shalt  }
0x73: {  	_ =	shalt  }
0x74: {  	_ =	shalt  }
0x75: {  	_ =	shalt  }
0x76: {  	_ =	shalt  }
0x77: {  	_ =	shalt  }
0x78: {  	_ =	shalt  }
0x79: {  	_ =	shalt  }
0x7a: {  	_ =	shalt  }
0x7b: {  	_ =	shalt  }
0x7c: {  	_ =	shalt  }
0x7d: {  	_ =	shalt  }
0x7e: {  	_ =	shalt  }
0x7f: {  	_ =	shalt  }
0x80: {  	_ =	shalt  }
0x81: {  	_ =	shalt  }
0x82: {  	_ =	shalt  }
0x83: {  	_ =	shalt  }
0x84: {  	_ =	shalt  }
0x85: {  	_ =	shalt  }
0x86: {  	_ =	shalt  }
0x87: {  	_ =	shalt  }
.Lfunc_end0:
.L_simem_size_0:
called_computation_lowered:
.L_overlay_start_0:
0x88: {  	s2 =	sld [smem:$0x3FD9]  }
0x89: {  	s3 =	sld [smem:$0x3FFE];
	_ =	sdelay $0x1  }
0x8a: {  	s1 =	srdreg.scid  }
0x8b: {  	s0 =	sand.u32 $0x1, s1  }
0x8c: {  	s18 =	sshll.u32 s0, $0xA;
	s2 =	sadd.s32 s3, s2  }
0x8d: {  	s2 =	sadd.s32 s2, s18  }
0x8e: {  	[smem:$0x3FC2] =	sst s2  }
0x8f: {  	_ = 	snop  }
0x90: {  	s2 =	sld [smem:$0x3FC9]  }
0x91: {  	s19 =	sld [smem:$0x3FD0];
	(tm) =	ssettm $0x1  }
0x92: {  	s4 =	sld [smem:$0x3FFB];
	_ =	sdelay $0x3  }
0x93: {  	_ =	strace s4  }
0x94: {  	s4 =	sld [smem:$0x3FFC];
	_ =	sdelay $0x3  }
0x95: {  	_ =	strace s4  }
0x96: {  	s4 =	sld [smem:$0x3FFD];
	_ =	sdelay $0x3  }
0x97: {  	_ =	strace s4  }
0x98: {  	_ =	strace $0x8FFFFFFF  }
0x99: {  	s20 =	sld [smem:$0x3FDB];
	_ =	sdelay $0x1  }
0x9a: {  	s5 =	simm.s32 $_scs_section_size  }
0x9b: {  	s6 =	simm.s32 $_size__tile_overlayer_lowered;
	s7 =	simm.s32 $_tile_overlayer_lowered  }
0x9c: {  	s23 =	simm.s32 $0x1BFF;
	s22 =	sshll.u32 s7, $0x1;
	s4 =	sadd.s32 s5, s20  }
0x9d: {  	s8 =	simm.s32 $0x0;
	s21 =	sshll.u32 s6, $0x1;
	s6 =	sadd.s32 s22, s4  }
0x9e: {  	[timem:s8], [sflag:s23] =	dma.local [hbm:s6], s21  }
0x9f: {  	_ =	swait.ge [sflag:s23], s21  }
0xa0: {  	s5 =	ssub.s32 $0x0, s21;
	[sflag:s23] =	ssyncset.done $0x0  }
0xa1: {  	[sflag:s23] =	ssyncadd.s32 s5;
	_ =	sdelay $0x1  }
0xa2: {  	s24 =	simm.s32 $0x1B8B  }
0xa3: {  	_ =	swait.ge [sflag:s24], $0x1  }
0xa4: {  	[sflag:s24] =	ssyncset.done $0x0  }
0xa5: {  	s25 =	simm.s32 $0x1B8E;
	[sflag:s24] =	ssyncadd.s32 $0xFFFFFFFF  }
0xa6: {  	s26 =	simm.s32 $execute0_lowered;
	[smem:$0x3FD2] =	sst s25  }
0xa7: {  	s5 =	sshll.u32 s26, $0x1;
	_ =	strace $0x80000046;
	[dreg:$0x1] =	wrdreg $0xFFFFFFFF  }
0xa8: {  	s28 =	simm.s32 $_size_execute0_lowered;
	s4 =	sadd.s32 s4, s5;
	[dreg:$0x0] =	wrdreg $0x0  }
0xa9: {  	s5 =	sshll.u32 s28, $0x1;
	[dreg:$0x2] =	wrdreg s4  }
0xaa: {  	[dreg:$0x3] =	wrdreg s5  }
0xab: {  	[dreg:$0x4] =	wrdreg $0xC0  }
0xac: {  	_ =	task [dreg:s8], $0x5FFFF  }
0xad: {  	[dreg:$0x1] =	wrdreg $0xFFFFFFFF  }
0xae: {  	[dreg:$0x0] =	wrdreg $0x60  }
0xaf: {  	[dreg:$0x2] =	wrdreg s2  }
0xb0: {  	[dreg:$0x3] =	wrdreg s19  }
0xb1: {  	[dreg:$0x4] =	wrdreg $0x9  }
0xb2: {  	_ =	task.clear_ibuf [dreg:s8], $0x5FFFF;
	_ =	strace $0x90000046  }
0xb3: {  	s29 =	simm.s32 $0x9;
	_ =	strace $0x80000048  }
0xb4: {  	_ =	swait.ge [sflag:s29], $0x1  }
0xb5: {  	[sflag:s29] =	ssyncadd.s32 $0xFFFFFFFF  }
0xb6: {  	_ =	strace $0x90000048  }
0xb7: {  	_ =	sfence  }
0xb8: {  	s30 =	sld [smem:$0x0];
	_ =	sdelay $0x2  }
0xb9: {  	s31 =	sshll.u32 s1, $0xD;
	s1 =	sshrl.u32 s1, $0x2  }
0xba: {  	s3 =	sand.u32 $0x4000, s31;
	s1 =	sadd.s32 s1, s30  }
0xbb: {  	s0 =	sor.u32 s3, s0;
	s1 =	sshll.u32 s1, $0x11  }
0xbc: {  	s0 =	sor.u32 s1, s0  }
0xbd: {  	s0 =	sadd.s32 $0x8F2B, s0  }
0xbe: {  	[sflag:s0] =	ssyncadd.remote.s32 $0x1  }
0xbf: {  	_ =	sfence.sel $0xFFFF  }
0xc0: {  	[dreg:$0x0] =	wrdreg $0xFFFFFFFF;
	(pc) =	sbr.abs _section_cstart, $3  }
0xc1: {  	[dreg:$0x1] =	wrdreg $0xFFFFFFFF  }
0xc2: {  	_ =	task.clear_ibuf [dreg:s8], $0x2FFFF;
	_ =	strace $0x9FFFFFFF  }
0xc3: {  	(tm) =	ssettm $0x7FFFFFFF  }
tec
execute0_lowered:
.L_overlay_start_1:
0x0: {  	(tag) =	ssettag $0x1  }
0x1: {  	s3 =	rddreg [dreg:$0x0]  }
0x2: {  	s4 =	rddreg [dreg:$0x1]  }
0x3: {  	s0 =	rddreg [dreg:$0x2];
	s2 =	simm.s32 $0x0;
	s5 =	srdreg.scid  }
0x4: {  	s1 =	stileid.u32;
	s9 =	simm.s32 $0x10000;
	s10 =	simm.s32 $0x2  }
0x5: {  	s11 =	simm.s32 $0x0;
	[smem:$0x7FF] =	sst s2;
	s5 =	sand.u32 $0x1, s5  }
0x6: {  	s7 =	sshll.u32 s1, $0x1;
	s30 =	sshll.u32 s1, $0x9;
	_ =	strace $0x80000047  }
0x7: {  	s6 =	ssub.s32 $0x2, s5;
	s5 =	sor.u32 s5, s7;
	s7 =	sand.u32 $0x1800, s30  }
0x8: {  	s8 =	sshrl.u32 s6, $0x1;
	s31 =	sshll.u32 s5, $0x4;
	s5 =	sshll.u32 s5, $0xD  }
0x9: {  	s4 =	sadd.s32 s4, s7;
	s6 =	ssub.s32 s6, s8;
	s8 =	sand.u32 $0x70, s31  }
0xa: {  	s7 =	simm.s32 $0x80;
	s3 =	sadd.s32 s3, s5;
	s4 =	sadd.s32 s8, s4  }
0xb: {  	s5 =	smax.u32 s6, $0x1;
	s6 =	simm.s32 $0x1;
	s8 =	simm.s32 $0x400  }
.LBB2_1:
0xc: {  	[tilespmem:s2], [sflag:$0x1] =	stream.linear.gather [hbm4b:s3+s2], $0x10000, $0x38;
	[tilespmem:$0x10800] =	vst v63  }
0xd: {  	_ =	swait.ge [sflag:s6], $0x10000  }
0xe: {  	s12 =	sand.u32 $0x70, s2;
	s13 =	sand.u32 $0x3C00, s2;
	[sflag:s6] =	ssyncset.done $0x0  }
0xf: {  	s12 =	sor.u32 s12, s13;
	[sflag:s6] =	ssyncadd.s32 $0xFFFF0000  }
0x10: {  	v0 =	vld [tilespmem:s12+$0x80]  }
0x11: {  	v1 =	vld [tilespmem:s12+$0x0];
	_ =	sdelay $0x1  }
0x12: {  	v2 =	vld [tilespmem:s12+$0x100];
	_ =	sdelay $0x1  }
0x13: {  	v3 =	vld [tilespmem:s12+$0x180]  }
0x14: {  	v0 =	vadd.f32 v0, v1  }
0x15: {  	v36 =	vld [tilespmem:s12+$0x200]  }
0x16: {  	v0 =	vadd.f32 v2, v0  }
0x17: {  	v37 =	vld [tilespmem:s12+$0x280]  }
0x18: {  	v0 =	vadd.f32 v3, v0  }
0x19: {  	v38 =	vld [tilespmem:s12+$0x300]  }
0x1a: {  	v0 =	vadd.f32 v36, v0  }
0x1b: {  	v39 =	vld [tilespmem:s12+$0x380]  }
0x1c: {  	v0 =	vadd.f32 v37, v0  }
0x1d: {  	v40 =	vld [tilespmem:s12+$0x4000]  }
0x1e: {  	v0 =	vadd.f32 v38, v0  }
0x1f: {  	v41 =	vld [tilespmem:s12+$0x4080]  }
0x20: {  	v0 =	vadd.f32 v39, v0  }
0x21: {  	v42 =	vld [tilespmem:s12+$0x4100]  }
0x22: {  	v0 =	vadd.f32 v40, v0  }
0x23: {  	v43 =	vld [tilespmem:s12+$0x4180]  }
0x24: {  	v0 =	vadd.f32 v41, v0  }
0x25: {  	v44 =	vld [tilespmem:s12+$0x4200]  }
0x26: {  	v0 =	vadd.f32 v42, v0  }
0x27: {  	v45 =	vld [tilespmem:s12+$0x4280]  }
0x28: {  	v0 =	vadd.f32 v43, v0  }
0x29: {  	v46 =	vld [tilespmem:s12+$0x4300]  }
0x2a: {  	v0 =	vadd.f32 v44, v0  }
0x2b: {  	v47 =	vld [tilespmem:s12+$0x4380]  }
0x2c: {  	v0 =	vadd.f32 v45, v0  }
0x2d: {  	v48 =	vld [tilespmem:s12+$0x8000]  }
0x2e: {  	v0 =	vadd.f32 v46, v0  }
0x2f: {  	v49 =	vld [tilespmem:s12+$0x8080]  }
0x30: {  	v0 =	vadd.f32 v47, v0  }
0x31: {  	v50 =	vld [tilespmem:s12+$0x8100]  }
0x32: {  	v0 =	vadd.f32 v48, v0  }
0x33: {  	v51 =	vld [tilespmem:s12+$0x8180]  }
0x34: {  	v0 =	vadd.f32 v49, v0  }
0x35: {  	v52 =	vld [tilespmem:s12+$0x8200]  }
0x36: {  	v0 =	vadd.f32 v50, v0  }
0x37: {  	v53 =	vld [tilespmem:s12+$0x8280]  }
0x38: {  	v0 =	vadd.f32 v51, v0  }
0x39: {  	v54 =	vld [tilespmem:s12+$0x8300]  }
0x3a: {  	v0 =	vadd.f32 v52, v0  }
0x3b: {  	v55 =	vld [tilespmem:s12+$0x8380]  }
0x3c: {  	v0 =	vadd.f32 v53, v0  }
0x3d: {  	v56 =	vld [tilespmem:s12+$0xC000]  }
0x3e: {  	v0 =	vadd.f32 v54, v0  }
0x3f: {  	v57 =	vld [tilespmem:s12+$0xC080]  }
0x40: {  	v0 =	vadd.f32 v55, v0  }
0x41: {  	v58 =	vld [tilespmem:s12+$0xC100]  }
0x42: {  	v0 =	vadd.f32 v56, v0  }
0x43: {  	v59 =	vld [tilespmem:s12+$0xC180]  }
0x44: {  	v0 =	vadd.f32 v57, v0  }
0x45: {  	v60 =	vld [tilespmem:s12+$0xC200]  }
0x46: {  	v0 =	vadd.f32 v58, v0  }
0x47: {  	v61 =	vld [tilespmem:s12+$0xC280]  }
0x48: {  	v0 =	vadd.f32 v59, v0  }
0x49: {  	v62 =	vld [tilespmem:s12+$0xC300]  }
0x4a: {  	v0 =	vadd.f32 v60, v0  }
0x4b: {  	v63 =	vld [tilespmem:s12+$0xC380]  }
0x4c: {  	v0 =	vadd.f32 v61, v0;
	_ =	sdelay $0x1  }
0x4d: {  	v0 =	vadd.f32 v62, v0;
	_ =	sdelay $0x1  }
0x4e: {  	s30 =	simm.s32 $0x10;
	s14 =	simm.s32 $0x80;
	v0 =	vadd.f32 v63, v0  }
0x4f: {  	s31 =	sand.u32 $0x3C00, s14;
	s12 =	sand.u32 $0x70, s30  }
0x50: {  	s15 =	simm.s32 $0x20;
	s13 =	sor.u32 s12, s31;
	s12 =	simm.s32 $0x10000;
	[tilespmem:s9+$0x0] =	vst v0  }
.LBB2_2:
0x51: {  	p0 =	sne.s32 s15, $0x7F0;
	v0 =	vld [tilespmem:s13+$0x80]  }
0x52: {  	v1 =	vld [tilespmem:s13+$0x0];
	_ =	sdelay $0x1  }
0x53: {  	v2 =	vld [tilespmem:s13+$0x100];
	_ =	sdelay $0x1  }
0x54: {  	v3 =	vld [tilespmem:s13+$0x180]  }
0x55: {  	v0 =	vadd.f32 v0, v1  }
0x56: {  	v1 =	vld [tilespmem:s13+$0x200]  }
0x57: {  	v0 =	vadd.f32 v2, v0  }
0x58: {  	v2 =	vld [tilespmem:s13+$0x280]  }
0x59: {  	v0 =	vadd.f32 v3, v0  }
0x5a: {  	v3 =	vld [tilespmem:s13+$0x300]  }
0x5b: {  	v0 =	vadd.f32 v1, v0  }
0x5c: {  	v1 =	vld [tilespmem:s13+$0x380]  }
0x5d: {  	v0 =	vadd.f32 v2, v0  }
0x5e: {  	v2 =	vld [tilespmem:s13+$0x4000]  }
0x5f: {  	v0 =	vadd.f32 v3, v0  }
0x60: {  	v3 =	vld [tilespmem:s13+$0x4080]  }
0x61: {  	v0 =	vadd.f32 v1, v0  }
0x62: {  	v1 =	vld [tilespmem:s13+$0x4100]  }
0x63: {  	v0 =	vadd.f32 v2, v0  }
0x64: {  	v2 =	vld [tilespmem:s13+$0x4180]  }
0x65: {  	v0 =	vadd.f32 v3, v0  }
0x66: {  	v3 =	vld [tilespmem:s13+$0x4200]  }
0x67: {  	v0 =	vadd.f32 v1, v0  }
0x68: {  	v1 =	vld [tilespmem:s13+$0x4280]  }
0x69: {  	v0 =	vadd.f32 v2, v0  }
0x6a: {  	v2 =	vld [tilespmem:s13+$0x4300]  }
0x6b: {  	v0 =	vadd.f32 v3, v0  }
0x6c: {  	v3 =	vld [tilespmem:s13+$0x4380]  }
0x6d: {  	v0 =	vadd.f32 v1, v0  }
0x6e: {  	v1 =	vld [tilespmem:s13+$0x8000]  }
0x6f: {  	v0 =	vadd.f32 v2, v0  }
0x70: {  	v2 =	vld [tilespmem:s13+$0x8080]  }
0x71: {  	v0 =	vadd.f32 v3, v0  }
0x72: {  	v3 =	vld [tilespmem:s13+$0x8100]  }
0x73: {  	v0 =	vadd.f32 v1, v0  }
0x74: {  	v1 =	vld [tilespmem:s13+$0x8180]  }
0x75: {  	v0 =	vadd.f32 v2, v0  }
0x76: {  	v2 =	vld [tilespmem:s13+$0x8200]  }
0x77: {  	v0 =	vadd.f32 v3, v0  }
0x78: {  	v3 =	vld [tilespmem:s13+$0x8280]  }
0x79: {  	v0 =	vadd.f32 v1, v0  }
0x7a: {  	v1 =	vld [tilespmem:s13+$0x8300]  }
0x7b: {  	v0 =	vadd.f32 v2, v0  }
0x7c: {  	v2 =	vld [tilespmem:s13+$0x8380]  }
0x7d: {  	v0 =	vadd.f32 v3, v0  }
0x7e: {  	v3 =	vld [tilespmem:s13+$0xC000]  }
0x7f: {  	v0 =	vadd.f32 v1, v0  }
0x80: {  	v1 =	vld [tilespmem:s13+$0xC080]  }
0x81: {  	v0 =	vadd.f32 v2, v0  }
0x82: {  	v2 =	vld [tilespmem:s13+$0xC100]  }
0x83: {  	v0 =	vadd.f32 v3, v0  }
0x84: {  	v3 =	vld [tilespmem:s13+$0xC180]  }
0x85: {  	v0 =	vadd.f32 v1, v0  }
0x86: {  	v1 =	vld [tilespmem:s13+$0xC200]  }
0x87: {  	v0 =	vadd.f32 v2, v0  }
0x88: {  	v2 =	vld [tilespmem:s13+$0xC280]  }
0x89: {  	v0 =	vadd.f32 v3, v0  }
0x8a: {  	v3 =	vld [tilespmem:s13+$0xC300]  }
0x8b: {  	v0 =	vadd.f32 v1, v0  }
0x8c: {  	v1 =	vld [tilespmem:s13+$0xC380]  }
0x8d: {  	v0 =	vadd.f32 v2, v0;
	_ =	sdelay $0x1  }
.Ltmp0:
0x8e: {  	v0 =	vadd.f32 v3, v0;
	(pc) =	sbr.rel @p0 .LBB2_2-.Ltmp0, $4  }
0x8f: {  	_ = 	snop  }
0x90: {  	s14 =	sadd.s32 $0x80, s14;
	v0 =	vadd.f32 v1, v0  }
0x91: {  	s12 =	sadd.s32 $0x10, s12;
	s16 =	sand.u32 $0x3C00, s14;
	s13 =	sand.u32 $0x70, s15  }
0x92: {  	s15 =	sadd.s32 $0x10, s15;
	s13 =	sor.u32 s13, s16;
	[tilespmem:s12+$0x0] =	vst v0  }
0x93: {  	v0 =	vld [tilespmem:s13+$0x80]  }
0x94: {  	v1 =	vld [tilespmem:s13+$0x0];
	_ =	sdelay $0x1  }
0x95: {  	v2 =	vld [tilespmem:s13+$0x100];
	_ =	sdelay $0x1  }
0x96: {  	v3 =	vld [tilespmem:s13+$0x180]  }
0x97: {  	v0 =	vadd.f32 v0, v1  }
0x98: {  	v36 =	vld [tilespmem:s13+$0x200]  }
0x99: {  	v0 =	vadd.f32 v2, v0  }
0x9a: {  	v37 =	vld [tilespmem:s13+$0x280]  }
0x9b: {  	v0 =	vadd.f32 v3, v0  }
0x9c: {  	v38 =	vld [tilespmem:s13+$0x300]  }
0x9d: {  	v0 =	vadd.f32 v36, v0  }
0x9e: {  	v39 =	vld [tilespmem:s13+$0x380]  }
0x9f: {  	v0 =	vadd.f32 v37, v0  }
0xa0: {  	v40 =	vld [tilespmem:s13+$0x4000]  }
0xa1: {  	v0 =	vadd.f32 v38, v0  }
0xa2: {  	v41 =	vld [tilespmem:s13+$0x4080]  }
0xa3: {  	v0 =	vadd.f32 v39, v0  }
0xa4: {  	v42 =	vld [tilespmem:s13+$0x4100]  }
0xa5: {  	v0 =	vadd.f32 v40, v0  }
0xa6: {  	v43 =	vld [tilespmem:s13+$0x4180]  }
0xa7: {  	v0 =	vadd.f32 v41, v0  }
0xa8: {  	v44 =	vld [tilespmem:s13+$0x4200]  }
0xa9: {  	v0 =	vadd.f32 v42, v0  }
0xaa: {  	v45 =	vld [tilespmem:s13+$0x4280]  }
0xab: {  	v0 =	vadd.f32 v43, v0  }
0xac: {  	v46 =	vld [tilespmem:s13+$0x4300]  }
0xad: {  	v0 =	vadd.f32 v44, v0  }
0xae: {  	v47 =	vld [tilespmem:s13+$0x4380]  }
0xaf: {  	v0 =	vadd.f32 v45, v0  }
0xb0: {  	v48 =	vld [tilespmem:s13+$0x8000]  }
0xb1: {  	v0 =	vadd.f32 v46, v0  }
0xb2: {  	v49 =	vld [tilespmem:s13+$0x8080]  }
0xb3: {  	v0 =	vadd.f32 v47, v0  }
0xb4: {  	v50 =	vld [tilespmem:s13+$0x8100]  }
0xb5: {  	v0 =	vadd.f32 v48, v0  }
0xb6: {  	v51 =	vld [tilespmem:s13+$0x8180]  }
0xb7: {  	v0 =	vadd.f32 v49, v0  }
0xb8: {  	v52 =	vld [tilespmem:s13+$0x8200]  }
0xb9: {  	v0 =	vadd.f32 v50, v0  }
0xba: {  	v53 =	vld [tilespmem:s13+$0x8280]  }
0xbb: {  	v0 =	vadd.f32 v51, v0  }
0xbc: {  	v54 =	vld [tilespmem:s13+$0x8300]  }
0xbd: {  	v0 =	vadd.f32 v52, v0  }
0xbe: {  	v55 =	vld [tilespmem:s13+$0x8380]  }
0xbf: {  	v0 =	vadd.f32 v53, v0  }
0xc0: {  	v56 =	vld [tilespmem:s13+$0xC000]  }
0xc1: {  	v0 =	vadd.f32 v54, v0  }
0xc2: {  	v57 =	vld [tilespmem:s13+$0xC080]  }
0xc3: {  	v0 =	vadd.f32 v55, v0  }
0xc4: {  	v58 =	vld [tilespmem:s13+$0xC100]  }
0xc5: {  	v0 =	vadd.f32 v56, v0  }
0xc6: {  	v59 =	vld [tilespmem:s13+$0xC180]  }
0xc7: {  	v0 =	vadd.f32 v57, v0  }
0xc8: {  	v60 =	vld [tilespmem:s13+$0xC200]  }
0xc9: {  	v0 =	vadd.f32 v58, v0  }
0xca: {  	v61 =	vld [tilespmem:s13+$0xC280]  }
0xcb: {  	v0 =	vadd.f32 v59, v0  }
0xcc: {  	v62 =	vld [tilespmem:s13+$0xC300]  }
0xcd: {  	v0 =	vadd.f32 v60, v0  }
0xce: {  	v63 =	vld [tilespmem:s13+$0xC380]  }
0xcf: {  	v0 =	vadd.f32 v61, v0;
	_ =	sdelay $0x1  }
0xd0: {  	v0 =	vadd.f32 v62, v0;
	_ =	sdelay $0x1  }
0xd1: {  	s11 =	sadd.s32 $0x1, s11;
	v0 =	vadd.f32 v63, v0  }
0xd2: {  	s12 =	sadd.s32 $0x10, s12;
	p0 =	sne.s32 s11, s5  }
.Ltmp1:
0xd3: {  	[tilespmem:s12+$0x0] =	vst v0;
	(pc) =	sbr.rel @p0 .LBB2_1-.Ltmp1, $4  }
0xd4: {  	[hbm4b:s4+s7] =	stream.strided.scatter [tilespmem:s9], [sflag:$0x2], $0x800, s8, s7, $0x38;
	[tilespmem:$0x10800] =	vst v63  }
0xd5: {  	_ =	swait.ge [sflag:s10], $0x800  }
0xd6: {  	[sflag:s10] =	ssyncset.done $0x0  }
0xd7: {  	[sflag:s10] =	ssyncadd.s32 $0xFFFFF800  }
0xd8: {  	_ =	sfence.sel $0x180000  }
0xd9: {  	[bflag:$0x0] =	sbarrier.arrive $0xFFFF  }
0xda: {  	p0 =	sne.s32 s1, $0x0;
	_ =	strace $0x90000047  }
0xdb: {  	s0 =	sadd.s32 @!p0 $0x100000, s0;
	[bflag:$0x2] =	sbarrier.arrive $0xFFFF  }
0xdc: {  	[sflag:s0] =	ssyncadd.tile.s32 @!p0 $0x1;
	_ =	shalt  }
.Lfunc_end2:
_tile_overlayer_lowered:
.L_overlay_start_2:
0xdd: {  	(tag) =	ssettag $0x2  }
0xde: {  	s0 =	rddreg [dreg:$0x0];
	s2 =	stileid.u32  }
0xdf: {  	s1 =	rddreg [dreg:$0x1];
	p0 =	sne.s32 s2, $0x0  }
0xe0: {  	s3 =	rddreg [dreg:$0x2];
	[bflag:$0x3] =	sbarrier.arrive $0xFFFF;
	s2 =	simm.s32 @!p0 $0x1C02  }
0xe1: {  	[timem:s3], [sflag:s2] =	dma.local @!p0 [hbm:s0], s1  }
0xe2: {  	s0 =	simm.s32 @!p0 $0x2  }
0xe3: {  	_ =	swait.ge @!p0 [sflag:s0], s1  }
0xe4: {  	s1 =	ssub.s32 @!p0 $0x0, s1;
	[sflag:s0] =	ssyncset.done @!p0 $0x0  }
0xe5: {  	[sflag:s0] =	ssyncadd.s32 @!p0 s1  }
0xe6: {  	[bflag:$0x3] =	sbarrier.arrive $0xFFFF  }
0xe7: {  	_ =	shalt  }

</sc_bundles>
